<compile_context>
chip_gen: v7x
topology: tpu7x:2x2x1
jax: 0.10.2.dev20260603
libtpu: 0.0.44.dev20260713+nightly
codegen_flags: <defaults>
</compile_context>

<pallas_src>
import functools

import jax
import jax.numpy as jnp
from jax import lax
from jax.experimental import pallas as pl
from jax.experimental.pallas import tpu as pltpu
from jax.experimental.pallas import tpu_sc as plsc

B = 128
T = 4096
L = 16
NC = 2
NS = 16
NW = NC * NS
ROWS_PER_W = B // NW
CHUNKS = T // L

_mesh = plsc.VectorSubcoreMesh(core_axis_name="c", subcore_axis_name="s")


@functools.partial(
    pl.kernel,
    mesh=_mesh,
    out_type=jax.ShapeDtypeStruct((B, T), jnp.float32),
    scratch_types=[
        pltpu.VMEM((L,), jnp.int32),
        pltpu.VMEM((T,), jnp.float32),
    ],
)
def _sc_body(e_hbm, meta_hbm, out_hbm, meta_v, rowbuf):
    wid = lax.axis_index("s") * NC + lax.axis_index("c")
    base = wid * ROWS_PER_W

    pltpu.sync_copy(meta_hbm.at[wid], meta_v)
    meta = meta_v[...]

    lane = lax.iota(jnp.int32, L)
    ones = jnp.full((L,), 1.0, jnp.float32)
    neg = jnp.full((L,), -99999.0, jnp.float32)

    for r in range(ROWS_PER_W):
        row = base + r
        start = meta[r]
        end = meta[4 + r]
        use_oracle = meta[8 + r] != 0

        del start, end, use_oracle, row


def kernel(e, att_starts, att_ends, n_att_frames, output_index):
    flags = (jnp.asarray(output_index, jnp.int32)
             < n_att_frames.astype(jnp.int32)).astype(jnp.int32)
    meta = jnp.concatenate(
        [att_starts.astype(jnp.int32).reshape(NW, ROWS_PER_W),
         att_ends.astype(jnp.int32).reshape(NW, ROWS_PER_W),
         flags.reshape(NW, ROWS_PER_W),
         jnp.zeros((NW, L - 3 * ROWS_PER_W), jnp.int32)],
        axis=1)
    return _sc_body(e, meta)

# --- scband reference (transcript-rebuilt; emitter-appended) ---
"""Pipeline reference for scband-oracle-att-38843684225532 (READ-ONLY COPY).

The authoritative reference and input builder live on the scoring server;
editing this copy changes nothing except your own understanding.
"""

import jax, jax.numpy as jnp
import numpy as np

B = 128
T = 4096

def setup_inputs(seed: int = 0) -> dict:
    key = jax.random.key(seed)
    k1, k2, k3, k4 = jax.random.split(key, 4)
    e = jax.random.normal(k1, (B, T), dtype=jnp.float32)
    att_starts = jax.random.randint(k2, (B,), 0, 2048, dtype=jnp.int64 if jax.config.jax_enable_x64 else jnp.int32).astype(jnp.int32)
    att_ends = jax.random.randint(k3, (B,), 0, 4096, dtype=jnp.int32)
    n_att_frames = jax.random.randint(k4, (B,), 0, 64, dtype=jnp.int32)
    output_index = 10
    return {"e": e, "att_starts": att_starts, "att_ends": att_ends,
            "n_att_frames": n_att_frames, "output_index": output_index}

def reference(e, att_starts, att_ends, n_att_frames, output_index):
    # Faithful translation of OracleAtt.__call__:
    #   e_oracle = ones_like(e) * -99999
    #   for each utterance i:
    #     if output_index < n_att_frames[i]:
    #         e_oracle[i, start_i:end_i] = 1.0
    #     else:
    #         e_oracle[i] = e[i]
    pos = jnp.arange(e.shape[1], dtype=jnp.int32)[None, :]           # [1, T]
    in_window = (pos >= att_starts[:, None]) & (pos < att_ends[:, None])  # [B, T]
    oracle = jnp.where(in_window, jnp.float32(1.0), jnp.float32(-99999.0))
    use_oracle = (output_index < n_att_frames)[:, None]               # [B, 1]
    e_oracle = jnp.where(use_oracle, oracle, e)
    return e_oracle

if __name__ == "__main__":
    import jax
    _d = setup_inputs()
    print(jax.jit(kernel)(*tuple(_d.values())))

</pallas_src>

<mosaic_0001>
#map = affine_map<(d0, d1) -> (0, 0)>
module attributes {stable_mosaic.version = 14 : i64} {
  func.func @_sc_body(%arg0: i32, %arg1: i32, %arg2: memref<128x4096xf32, #tpu.memory_space<hbm>>, %arg3: memref<32x16xi32, #tpu.memory_space<hbm>>, %arg4: memref<128x4096xf32, #tpu.memory_space<hbm>>, %arg5: memref<16xi32, #tpu.memory_space<vmem>>, %arg6: memref<4096xf32, #tpu.memory_space<vmem>>) attributes {dimension_semantics = [#tpu.dimension_semantics<core_parallel>, #tpu.dimension_semantics<subcore_parallel>], iteration_bounds = array<i64: 2, 16>, scalar_prefetch = 0 : i64, scratch_operands = 2 : i64, tpu.core_type = #tpu.core_type<sc_vector_subcore>, window_params = [{transform_indices = #map}, {transform_indices = #map}, {transform_indices = #map}]} {
    %mul3A = arith.constant 2 : i32
    %mul3A_0 = arith.muli %arg1, %mul3A : i32
    %add3A = arith.addi %mul3A_0, %arg0 : i32
    %mul3A_1 = arith.constant 4 : i32
    %mul3A_2 = arith.muli %add3A, %mul3A_1 : i32
    "tpu.region"() ({
      %run_scoped3A = tpu.sem_alloc : memref<!tpu.dma_semaphore, #tpu.memory_space<semaphore_mem>>
      %dma_start3A = arith.constant 0 : i32
      %dma_start3A_45 = tpu.memref_slice %arg3[%add3A, %dma_start3A] : memref<32x16xi32, #tpu.memory_space<hbm>> -> memref<1x16xi32, #tpu.memory_space<hbm>>
      %dma_start3A_46 = tpu.memref_squeeze %dma_start3A_45 : memref<1x16xi32, #tpu.memory_space<hbm>> -> memref<16xi32, #tpu.memory_space<hbm>>
      %dma_start3A_47 = arith.constant 0 : i32
      %dma_start3A_48 = tpu.memref_slice %arg3[%add3A, %dma_start3A_47] : memref<32x16xi32, #tpu.memory_space<hbm>> -> memref<1x16xi32, #tpu.memory_space<hbm>>
      %dma_start3A_49 = tpu.memref_squeeze %dma_start3A_48 : memref<1x16xi32, #tpu.memory_space<hbm>> -> memref<16xi32, #tpu.memory_space<hbm>>
      tpu.enqueue_dma source(%dma_start3A_49 : memref<16xi32, #tpu.memory_space<hbm>>) target(%arg5 : memref<16xi32, #tpu.memory_space<vmem>>) target_semaphore(%run_scoped3A : memref<!tpu.dma_semaphore, #tpu.memory_space<semaphore_mem>>)
      %dma_wait3A = arith.constant 0 : i32
      %dma_wait3A_50 = tpu.memref_slice %arg3[%add3A, %dma_wait3A] : memref<32x16xi32, #tpu.memory_space<hbm>> -> memref<1x16xi32, #tpu.memory_space<hbm>>
      %dma_wait3A_51 = tpu.memref_squeeze %dma_wait3A_50 : memref<1x16xi32, #tpu.memory_space<hbm>> -> memref<16xi32, #tpu.memory_space<hbm>>
      %dma_wait3A_52 = arith.constant 0 : i32
      %dma_wait3A_53 = tpu.memref_slice %arg3[%add3A, %dma_wait3A_52] : memref<32x16xi32, #tpu.memory_space<hbm>> -> memref<1x16xi32, #tpu.memory_space<hbm>>
      %dma_wait3A_54 = tpu.memref_squeeze %dma_wait3A_53 : memref<1x16xi32, #tpu.memory_space<hbm>> -> memref<16xi32, #tpu.memory_space<hbm>>
      tpu.wait_dma2 semaphore(%run_scoped3A : memref<!tpu.dma_semaphore, #tpu.memory_space<semaphore_mem>>) src(%dma_wait3A_54 : memref<16xi32, #tpu.memory_space<hbm>>) dst(%arg5 : memref<16xi32, #tpu.memory_space<vmem>>)
      tpu.yield
    }) : () -> ()
    %get3A = arith.constant 0 : index
    %get3A_3 = tpu.vector_load %arg5[%get3A] {strides = array<i32>} : memref<16xi32, #tpu.memory_space<vmem>>, vector<16xi32>,
    %get3A_4 = vector.shape_cast %get3A_3 : vector<16xi32> to vector<16xi32>
    %iota3A = tpu.iota {dimensions = array<i32: 0>} : vector<16xi32>
    %broadcast_in_dim3A = arith.constant 1.000000e+00 : f32
    %broadcast_in_dim3A_5 = vector.broadcast %broadcast_in_dim3A : f32 to vector<16xf32>
    %broadcast_in_dim3A_6 = arith.constant -9.999900e+04 : f32
    %broadcast_in_dim3A_7 = vector.broadcast %broadcast_in_dim3A_6 : f32 to vector<16xf32>
    %add3A_8 = arith.constant 0 : i32
    %add3A_9 = arith.addi %mul3A_2, %add3A_8 : i32
    %slice3A = vector.extract_strided_slice %get3A_4 {offsets = [0], sizes = [1], strides = [1]} : vector<16xi32> to vector<1xi32>
    %squeeze3A = vector.extract %slice3A[0] : i32 from vector<1xi32>
    %slice3A_10 = vector.extract_strided_slice %get3A_4 {offsets = [4], sizes = [1], strides = [1]} : vector<16xi32> to vector<1xi32>
    %squeeze3A_11 = vector.extract %slice3A_10[0] : i32 from vector<1xi32>
    %slice3A_12 = vector.extract_strided_slice %get3A_4 {offsets = [8], sizes = [1], strides = [1]} : vector<16xi32> to vector<1xi32>
    %squeeze3A_13 = vector.extract %slice3A_12[0] : i32 from vector<1xi32>
    %ne3A = arith.constant 0 : i32
    %ne3A_14 = arith.cmpi ne, %squeeze3A_13, %ne3A : i32
    %add3A_15 = arith.constant 1 : i32
    %add3A_16 = arith.addi %mul3A_2, %add3A_15 : i32
    %slice3A_17 = vector.extract_strided_slice %get3A_4 {offsets = [1], sizes = [1], strides = [1]} : vector<16xi32> to vector<1xi32>
    %squeeze3A_18 = vector.extract %slice3A_17[0] : i32 from vector<1xi32>
    %slice3A_19 = vector.extract_strided_slice %get3A_4 {offsets = [5], sizes = [1], strides = [1]} : vector<16xi32> to vector<1xi32>
    %squeeze3A_20 = vector.extract %slice3A_19[0] : i32 from vector<1xi32>
    %slice3A_21 = vector.extract_strided_slice %get3A_4 {offsets = [9], sizes = [1], strides = [1]} : vector<16xi32> to vector<1xi32>
    %squeeze3A_22 = vector.extract %slice3A_21[0] : i32 from vector<1xi32>
    %ne3A_23 = arith.constant 0 : i32
    %ne3A_24 = arith.cmpi ne, %squeeze3A_22, %ne3A_23 : i32
    %add3A_25 = arith.constant 2 : i32
    %add3A_26 = arith.addi %mul3A_2, %add3A_25 : i32
    %slice3A_27 = vector.extract_strided_slice %get3A_4 {offsets = [2], sizes = [1], strides = [1]} : vector<16xi32> to vector<1xi32>
    %squeeze3A_28 = vector.extract %slice3A_27[0] : i32 from vector<1xi32>
    %slice3A_29 = vector.extract_strided_slice %get3A_4 {offsets = [6], sizes = [1], strides = [1]} : vector<16xi32> to vector<1xi32>
    %squeeze3A_30 = vector.extract %slice3A_29[0] : i32 from vector<1xi32>
    %slice3A_31 = vector.extract_strided_slice %get3A_4 {offsets = [10], sizes = [1], strides = [1]} : vector<16xi32> to vector<1xi32>
    %squeeze3A_32 = vector.extract %slice3A_31[0] : i32 from vector<1xi32>
    %ne3A_33 = arith.constant 0 : i32
    %ne3A_34 = arith.cmpi ne, %squeeze3A_32, %ne3A_33 : i32
    %add3A_35 = arith.constant 3 : i32
    %add3A_36 = arith.addi %mul3A_2, %add3A_35 : i32
    %slice3A_37 = vector.extract_strided_slice %get3A_4 {offsets = [3], sizes = [1], strides = [1]} : vector<16xi32> to vector<1xi32>
    %squeeze3A_38 = vector.extract %slice3A_37[0] : i32 from vector<1xi32>
    %slice3A_39 = vector.extract_strided_slice %get3A_4 {offsets = [7], sizes = [1], strides = [1]} : vector<16xi32> to vector<1xi32>
    %squeeze3A_40 = vector.extract %slice3A_39[0] : i32 from vector<1xi32>
    %slice3A_41 = vector.extract_strided_slice %get3A_4 {offsets = [11], sizes = [1], strides = [1]} : vector<16xi32> to vector<1xi32>
    %squeeze3A_42 = vector.extract %slice3A_41[0] : i32 from vector<1xi32>
    %ne3A_43 = arith.constant 0 : i32
    %ne3A_44 = arith.cmpi ne, %squeeze3A_42, %ne3A_43 : i32
    return
  }
}

</mosaic_0001>

<sc_bundles>
// kernel: kernel.3.cloned.1.call-start
scs
__scs_entry_jumppad:
0x0: {  	(pc) =	sbr.rel $0x88, $3  }
0x1: {  	(tag) =	ssettag $0x0;
	lr =	simm.s32 $0x1  }
0x2: {  	[smem:$0x3F9C] =	sst lr;
	_ =	strace $0xD0000000  }
0x3: {  	_ = 	snop  }
0x4: {  	_ = 	snop  }
0x5: {  	_ = 	snop  }
0x6: {  	_ = 	snop  }
0x7: {  	_ = 	snop  }
__scs_overlays_trampoline_lowered:
0x8: {  	[smem:$0x3FAB] =	sst s0  }
0x9: {  	[smem:$0x3FAC] =	sst s1  }
0xa: {  	[smem:$0x3FAD] =	sst s2  }
0xb: {  	[smem:$0x3FAE] =	sst s3  }
0xc: {  	[smem:$0x3FAF] =	sst s4  }
0xd: {  	[smem:$0x3FB0] =	sst s5  }
0xe: {  	[smem:$0x3FB1] =	sst s6  }
0xf: {  	[smem:$0x3FB2] =	sst s7  }
0x10: {  	[smem:$0x3FB3] =	sst s8  }
0x11: {  	[smem:$0x3FB4] =	sst s9;
	s0 =	simm.s32 @!p0 $0x0  }
0x12: {  	s1 =	sld [smem:$0x3F9A];
	s0 =	simm.s32 @p0 $0x1  }
0x13: {  	[smem:$0x3FB5] =	sst s0;
	s0 =	simm.s32 @!p1 $0x0  }
0x14: {  	s2 =	sld [smem:$0x3F99];
	s0 =	simm.s32 @p1 $0x1  }
0x15: {  	[smem:$0x3FB6] =	sst s0;
	s0 =	simm.s32 @!p2 $0x0  }
0x16: {  	s3 =	sld [smem:$0x3FDB];
	s0 =	simm.s32 @p2 $0x1  }
0x17: {  	s4 =	simm.s32 $0x1BF5;
	[smem:$0x3FB8] =	sst s0  }
0x18: {  	s0 =	sld [smem:$0x3F9B];
	_ =	swait.ge [sflag:s4], $0x0  }
0x19: {  	s7 =	sld [smem:$0x3F9C]  }
0x1a: {  	s8 =	sadd.s32 $0xFFFFE003, lr  }
0x1b: {  	s9 =	sadd.s32 $0xFFFFFEF7, lr;
	s5 =	simm.s32 $0xFFFFFFFF;
	p2 =	slt.u32 s8, $0xFFFFF086  }
0x1c: {  	p1 =	slt.u32 s9, $0xF7A;
	s5 =	simm.s32 @!p2 $0x0  }
0x1d: {  	s5 =	simm.s32 @p1 $0x1;
	p0 =	seq.s32 s7, s2  }
0x1e: {  	s7 =	smul.u32 @!p0 $0xF7A, s2;
	p2 =	seq.s32 @!p0 s5, $0x0  }
0x1f: {  	s9 =	smul.u32 $0xF7A, s1;
	s8 =	simm.s32 @!p0 $0x1BF5;
	p2 =	por !p2, p0  }
0x20: {  	[sflag:s8] =	ssyncset.s32 @!p0 $0xFFFFF086;
	s6 =	sadd.s32 @!p0 s3, s7;
	s7 =	simm.s32 @!p0 $0x108  }
0x21: {  	s3 =	sadd.s32 s3, s9;
	s6 =	sadd.s32 @!p0 $0x88, s6;
	s7 =	simm.s32 @p2 $0x1082  }
0x22: {  	[simem:s7], [sflag:s8] =	dma.local @!p0 [hbm:s6], $0xF7A  }
0x23: {  	s9 =	sor.u32 $0xD0000000, s2;
	s6 =	simm.s32 $0x108;
	_ =	swait.ge @!p0 [sflag:s8], $0x0  }
0x24: {  	s3 =	sadd.s32 $0x88, s3;
	s6 =	simm.s32 @!p1 $0x1082;
	[sflag:s4] =	ssyncset.s32 $0xFFFFF086  }
0x25: {  	[simem:s6], [sflag:s4] =	dma.local [hbm:s3], $0xF7A  }
0x26: {  	[smem:$0x3F9C] =	sst s1;
	(tag) =	ssettag s2;
	_ =	strace s9  }
0x27: {  	s1 =	sld [smem:$0x3FAC]  }
0x28: {  	s2 =	sld [smem:$0x3FAD]  }
0x29: {  	s4 =	sld [smem:$0x3FAF]  }
0x2a: {  	p0 =	seq.s32 s5, $0x0;
	s5 =	sld [smem:$0x3FB0]  }
0x2b: {  	s6 =	sld [smem:$0x3FB1]  }
0x2c: {  	s7 =	sld [smem:$0x3FB2]  }
0x2d: {  	s3 =	simm.s32 $0x108;
	s8 =	sld [smem:$0x3FB3]  }
0x2e: {  	s3 =	simm.s32 @!p0 $0x1082;
	s9 =	sld [smem:$0x3FB4]  }
0x2f: {  	lr =	sadd.s32 s0, s3;
	s0 =	sld [smem:$0x3FAB]  }
0x30: {  	s3 =	sld [smem:$0x3FAE]  }
0x31: {  	[smem:$0x3FB7] =	sst s10  }
0x32: {  	s10 =	sld [smem:$0x3FB5];
	_ =	sdelay $0x3  }
0x33: {  	p0 =	seq.s32 s10, $0x1;
	s10 =	sld [smem:$0x3FB7];
	_ =	sdelay $0x3  }
0x34: {  	[smem:$0x3FB7] =	sst s10  }
0x35: {  	s10 =	sld [smem:$0x3FB6];
	_ =	sdelay $0x3  }
0x36: {  	p1 =	seq.s32 s10, $0x1;
	s10 =	sld [smem:$0x3FB7];
	_ =	sdelay $0x3  }
0x37: {  	[smem:$0x3FB7] =	sst s10  }
0x38: {  	s10 =	sld [smem:$0x3FB8]  }
0x39: {  	_ = 	snop;
	(pc) =	sbr.ind lr, $3  }
0x3a: {  	_ = 	snop  }
0x3b: {  	_ = 	snop  }
0x3c: {  	p2 =	seq.s32 s10, $0x1;
	s10 =	sld [smem:$0x3FB7]  }
0x3d: {  	_ =	shalt  }
0x3e: {  	_ =	shalt  }
0x3f: {  	_ =	shalt  }
0x40: {  	_ =	shalt  }
0x41: {  	_ =	shalt  }
0x42: {  	_ =	shalt  }
0x43: {  	_ =	shalt  }
0x44: {  	_ =	shalt  }
0x45: {  	_ =	shalt  }
0x46: {  	_ =	shalt  }
0x47: {  	_ =	shalt  }
0x48: {  	_ =	shalt  }
0x49: {  	_ =	shalt  }
0x4a: {  	_ =	shalt  }
0x4b: {  	_ =	shalt  }
0x4c: {  	_ =	shalt  }
0x4d: {  	_ =	shalt  }
0x4e: {  	_ =	shalt  }
0x4f: {  	_ =	shalt  }
0x50: {  	_ =	shalt  }
0x51: {  	_ =	shalt  }
0x52: {  	_ =	shalt  }
0x53: {  	_ =	shalt  }
0x54: {  	_ =	shalt  }
0x55: {  	_ =	shalt  }
0x56: {  	_ =	shalt  }
0x57: {  	_ =	shalt  }
0x58: {  	_ =	shalt  }
0x59: {  	_ =	shalt  }
0x5a: {  	_ =	shalt  }
0x5b: {  	_ =	shalt  }
0x5c: {  	_ =	shalt  }
0x5d: {  	_ =	shalt  }
0x5e: {  	_ =	shalt  }
0x5f: {  	_ =	shalt  }
0x60: {  	_ =	shalt  }
0x61: {  	_ =	shalt  }
0x62: {  	_ =	shalt  }
0x63: {  	_ =	shalt  }
0x64: {  	_ =	shalt  }
0x65: {  	_ =	shalt  }
0x66: {  	_ =	shalt  }
0x67: {  	_ =	shalt  }
0x68: {  	_ =	shalt  }
0x69: {  	_ =	shalt  }
0x6a: {  	_ =	shalt  }
0x6b: {  	_ =	shalt  }
0x6c: {  	_ =	shalt  }
0x6d: {  	_ =	shalt  }
0x6e: {  	_ =	shalt  }
0x6f: {  	_ =	shalt  }
0x70: {  	_ =	shalt  }
0x71: {  	_ =	shalt  }
0x72: {  	_ =	shalt  }
0x73: {  	_ =	shalt  }
0x74: {  	_ =	shalt  }
0x75: {  	_ =	shalt  }
0x76: {  	_ =	shalt  }
0x77: {  	_ =	shalt  }
0x78: {  	_ =	shalt  }
0x79: {  	_ =	shalt  }
0x7a: {  	_ =	shalt  }
0x7b: {  	_ =	shalt  }
0x7c: {  	_ =	shalt  }
0x7d: {  	_ =	shalt  }
0x7e: {  	_ =	shalt  }
0x7f: {  	_ =	shalt  }
0x80: {  	_ =	shalt  }
0x81: {  	_ =	shalt  }
0x82: {  	_ =	shalt  }
0x83: {  	_ =	shalt  }
0x84: {  	_ =	shalt  }
0x85: {  	_ =	shalt  }
0x86: {  	_ =	shalt  }
0x87: {  	_ =	shalt  }
.Lfunc_end0:
.L_simem_size_0:
called_computation_lowered:
.L_overlay_start_0:
0x88: {  	s2 =	sld [smem:$0x3FD9]  }
0x89: {  	s3 =	sld [smem:$0x3FFE];
	_ =	sdelay $0x1  }
0x8a: {  	s1 =	srdreg.scid  }
0x8b: {  	s0 =	sand.u32 $0x1, s1  }
0x8c: {  	s16 =	sshll.u32 s0, $0xA;
	s2 =	sadd.s32 s3, s2  }
0x8d: {  	s2 =	sadd.s32 s2, s16  }
0x8e: {  	[smem:$0x3FC3] =	sst s2  }
0x8f: {  	_ = 	snop  }
0x90: {  	(tm) =	ssettm $0x1  }
0x91: {  	s17 =	sld [smem:$0x3FFB];
	_ =	sdelay $0x3  }
0x92: {  	_ =	strace s17  }
0x93: {  	s2 =	sld [smem:$0x3FFC];
	_ =	sdelay $0x3  }
0x94: {  	_ =	strace s2  }
0x95: {  	s2 =	sld [smem:$0x3FFD];
	_ =	sdelay $0x3  }
0x96: {  	_ =	strace s2  }
0x97: {  	_ =	strace $0x8FFFFFFF  }
0x98: {  	s18 =	sld [smem:$0x3FDB];
	_ =	sdelay $0x1  }
0x99: {  	s19 =	simm.s32 $_scs_section_size  }
0x9a: {  	s4 =	simm.s32 $_size__tile_overlayer_lowered;
	s5 =	simm.s32 $_tile_overlayer_lowered  }
0x9b: {  	s22 =	simm.s32 $0x1BFF;
	s21 =	sshll.u32 s5, $0x1;
	s2 =	sadd.s32 s19, s18  }
0x9c: {  	s6 =	simm.s32 $0x0;
	s20 =	sshll.u32 s4, $0x1;
	s4 =	sadd.s32 s21, s2  }
0x9d: {  	[timem:s6], [sflag:s22] =	dma.local [hbm:s4], s20  }
0x9e: {  	_ =	swait.ge [sflag:s22], s20  }
0x9f: {  	s3 =	ssub.s32 $0x0, s20;
	[sflag:s22] =	ssyncset.done $0x0  }
0xa0: {  	[sflag:s22] =	ssyncadd.s32 s3;
	_ =	sdelay $0x1  }
0xa1: {  	s23 =	simm.s32 $0x1B8B  }
0xa2: {  	_ =	swait.ge [sflag:s23], $0x1  }
0xa3: {  	[sflag:s23] =	ssyncset.done $0x0  }
0xa4: {  	s25 =	simm.s32 $0x1B8E;
	s24 =	sld [smem:$0x3FFE];
	[sflag:s23] =	ssyncadd.s32 $0xFFFFFFFF  }
0xa5: {  	s26 =	simm.s32 $execute0_lowered;
	[smem:$0x3FD2] =	sst s25  }
0xa6: {  	s4 =	sshll.u32 s26, $0x1;
	_ =	strace $0x80000046;
	[dreg:$0x1] =	wrdreg $0xFFFFFFFF  }
0xa7: {  	s28 =	simm.s32 $_size_execute0_lowered;
	s2 =	sadd.s32 s2, s4;
	[dreg:$0x0] =	wrdreg $0x0  }
0xa8: {  	s4 =	sshll.u32 s28, $0x1;
	[dreg:$0x2] =	wrdreg s2  }
0xa9: {  	[dreg:$0x3] =	wrdreg s4  }
0xaa: {  	[dreg:$0x4] =	wrdreg $0xC0  }
0xab: {  	_ =	task [dreg:s6], $0x5FFFF  }
0xac: {  	[dreg:$0x1] =	wrdreg $0xFFFFFFFF  }
0xad: {  	[dreg:$0x0] =	wrdreg $0x60  }
0xae: {  	[dreg:$0x2] =	wrdreg s24  }
0xaf: {  	[dreg:$0x3] =	wrdreg $0x9  }
0xb0: {  	_ =	task.clear_ibuf [dreg:s6], $0x4FFFF;
	_ =	strace $0x90000046  }
0xb1: {  	s29 =	simm.s32 $0x9;
	_ =	strace $0x80000048  }
0xb2: {  	_ =	swait.ge [sflag:s29], $0x1  }
0xb3: {  	[sflag:s29] =	ssyncadd.s32 $0xFFFFFFFF  }
0xb4: {  	_ =	strace $0x90000048  }
0xb5: {  	_ =	sfence  }
0xb6: {  	s30 =	sld [smem:$0x0];
	_ =	sdelay $0x2  }
0xb7: {  	s31 =	sshll.u32 s1, $0xD;
	s1 =	sshrl.u32 s1, $0x2  }
0xb8: {  	s3 =	sand.u32 $0x4000, s31;
	s1 =	sadd.s32 s1, s30  }
0xb9: {  	s0 =	sor.u32 s3, s0;
	s1 =	sshll.u32 s1, $0x11  }
0xba: {  	s0 =	sor.u32 s1, s0  }
0xbb: {  	s0 =	sadd.s32 $0x8F2B, s0  }
0xbc: {  	[sflag:s0] =	ssyncadd.remote.s32 $0x1  }
0xbd: {  	_ =	sfence.sel $0xFFFF  }
0xbe: {  	[dreg:$0x0] =	wrdreg $0xFFFFFFFF;
	(pc) =	sbr.abs _section_cstart, $3  }
0xbf: {  	[dreg:$0x1] =	wrdreg $0xFFFFFFFF  }
0xc0: {  	_ =	task.clear_ibuf [dreg:s6], $0x2FFFF;
	_ =	strace $0x9FFFFFFF  }
0xc1: {  	(tm) =	ssettm $0x7FFFFFFF  }
tec
execute0_lowered:
.L_overlay_start_1:
0x0: {  	(tag) =	ssettag $0x1  }
0x1: {  	s1 =	srdreg.scid  }
0x2: {  	s4 =	sand.u32 $0x1, s1  }
0x3: {  	s5 =	sshll.u32 s4, $0x4;
	s4 =	ssub.s32 $0x2, s4  }
0x4: {  	s3 =	rddreg [dreg:$0x0];
	s31 =	sshrl.u32 s4, $0x1  }
0x5: {  	s0 =	rddreg [dreg:$0x1];
	s4 =	ssub.s32 s4, s31  }
0x6: {  	s1 =	stileid.u32;
	s3 =	sadd.s32 s5, s3;
	s5 =	smax.u32 s4, $0x1  }
0x7: {  	s2 =	simm.s32 $0x0;
	s6 =	sshll.u32 s1, $0x5;
	p0 =	sne.s32 s5, $0x1  }
.Ltmp0:
0x8: {  	[smem:$0x7FF] =	sst s2;
	s3 =	sadd.s32 s6, s3;
	(pc) =	sbr.rel @!p0 .LBB2_2-.Ltmp0, $4  }
0x9: {  	_ =	strace $0x80000047;
	s3 =	sadd.s32 $0x400, s3;
	s4 =	simm.s32 $0x1  }
0xa: {  	[tilespmem:s2], [sflag:$0x1] =	stream.linear.gather [hbm4b:s3+s2], $0x80, $0x38;
	[tilespmem:$0x80] =	vst v63  }
0xb: {  	_ =	swait.ge [sflag:s4], $0x80  }
0xc: {  	s5 =	sadd.s32 $0xFFFFFFFF, s5;
	[sflag:s4] =	ssyncset.done $0x0  }
.LBB2_1:
0xd: {  	p0 =	sne.s32 s5, $0x1;
	s5 =	sadd.s32 $0xFFFFFFFF, s5;
	[sflag:s4] =	ssyncadd.s32 $0xFFFFFF80  }
.Ltmp1:
0xe: {  	(pc) =	sbr.rel @p0 .LBB2_1-.Ltmp1, $4  }
0xf: {  	_ = 	snop  }
0x10: {  	[tilespmem:s2], [sflag:$0x1] =	stream.linear.gather [hbm4b:s3+s2], $0x80, $0x38;
	[tilespmem:$0x80] =	vst v63  }
0x11: {  	_ =	swait.ge [sflag:s4], $0x80  }
0x12: {  	[sflag:s4] =	ssyncset.done $0x0  }
.LBB2_2:
0x13: {  	[sflag:s4] =	ssyncadd.s32 $0xFFFFFF80  }
0x14: {  	_ =	sfence.sel $0x180000  }
0x15: {  	[bflag:$0x0] =	sbarrier.arrive $0xFFFF  }
0x16: {  	p0 =	sne.s32 s1, $0x0;
	_ =	strace $0x90000047  }
0x17: {  	s0 =	sadd.s32 @!p0 $0x100000, s0;
	[bflag:$0x2] =	sbarrier.arrive $0xFFFF  }
0x18: {  	[sflag:s0] =	ssyncadd.tile.s32 @!p0 $0x1;
	_ =	shalt  }
.Lfunc_end2:
_tile_overlayer_lowered:
.L_overlay_start_2:
0x19: {  	(tag) =	ssettag $0x2  }
0x1a: {  	s0 =	rddreg [dreg:$0x0];
	s2 =	stileid.u32  }
0x1b: {  	s1 =	rddreg [dreg:$0x1];
	p0 =	sne.s32 s2, $0x0  }
0x1c: {  	s3 =	rddreg [dreg:$0x2];
	[bflag:$0x3] =	sbarrier.arrive $0xFFFF;
	s2 =	simm.s32 @!p0 $0x1C01  }
0x1d: {  	[timem:s3], [sflag:s2] =	dma.local @!p0 [hbm:s0], s1  }
0x1e: {  	s0 =	simm.s32 @!p0 $0x1  }
0x1f: {  	_ =	swait.ge @!p0 [sflag:s0], s1  }
0x20: {  	s1 =	ssub.s32 @!p0 $0x0, s1;
	[sflag:s0] =	ssyncset.done @!p0 $0x0  }
0x21: {  	[sflag:s0] =	ssyncadd.s32 @!p0 s1  }
0x22: {  	[bflag:$0x3] =	sbarrier.arrive $0xFFFF  }
0x23: {  	_ =	shalt  }

</sc_bundles>
